<compile_context>
chip_gen: v7x
topology: tpu7x:2x2x1
jax: 0.10.2.dev20260603
libtpu: 0.0.44.dev20260713+nightly
codegen_flags: <defaults>
</compile_context>

<pallas_src>
import functools

import jax
import jax.numpy as jnp
from jax import lax
from jax.experimental import pallas as pl
from jax.experimental.pallas import tpu as pltpu
from jax.experimental.pallas import tpu_sc as plsc

_info = plsc.get_sparse_core_info()
_NC, _NS, _L = 1, _info.num_subcores, _info.num_lanes
_NW = _NC * _NS

_B = 1024
_LAB_PER_W = _B // _NW
_OUT_PER_W = 2 * _LAB_PER_W


def _sc_onehot(labels_hbm, out_hbm, lab_v, idx_v, ones_v, zero_v, lab_sem, zero_sem, scat_sem):
    wid = lax.axis_index("s") * _NC + lax.axis_index("c")
    base = wid * _LAB_PER_W
    iota = lax.iota(jnp.int32, _L)
    zeros = jnp.zeros((_L,), jnp.float32)
    ones = jnp.ones((_L,), jnp.float32)
    lab_cp = pltpu.async_copy(labels_hbm.at[pl.ds(base, _LAB_PER_W)], lab_v, lab_sem)
    for k in range(_OUT_PER_W // _L):
        zero_v[pl.ds(k * _L, _L)] = zeros
    zero_cp = pltpu.async_copy(zero_v, out_hbm.at[pl.ds(2 * base, _OUT_PER_W)], zero_sem)
    lab_cp.wait()
    for k in range(_LAB_PER_W // _L):
        lab = lab_v[pl.ds(k * _L, _L)]
        idx_v[pl.ds(k * _L, _L)] = 2 * (base + k * _L + iota) + lab
        ones_v[pl.ds(k * _L, _L)] = ones
    zero_cp.wait()
    pltpu.async_copy(ones_v, out_hbm.at[idx_v], scat_sem).wait()


@functools.partial(
    pl.kernel,
    mesh=plsc.VectorSubcoreMesh(
        core_axis_name="c", subcore_axis_name="s", num_cores=1
    ),
    out_type=jax.ShapeDtypeStruct((2 * _B,), jnp.float32),
    scratch_types=[
        pltpu.VMEM((_LAB_PER_W,), jnp.int32),
        pltpu.VMEM((_LAB_PER_W,), jnp.int32),
        pltpu.VMEM((_LAB_PER_W,), jnp.float32),
        pltpu.VMEM((_OUT_PER_W,), jnp.float32),
        pltpu.SemaphoreType.DMA,
        pltpu.SemaphoreType.DMA,
        pltpu.SemaphoreType.DMA,
    ],
)
def _sc_call(labels_hbm, out_hbm, lab_v, idx_v, ones_v, zero_v, lab_sem, zero_sem, scat_sem):
    _sc_onehot(labels_hbm, out_hbm, lab_v, idx_v, ones_v, zero_v, lab_sem, zero_sem, scat_sem)


def kernel(input_ids, attention_mask, labels):
    batch = input_ids.shape[0]
    return _sc_call(labels).reshape(batch, 2)

# --- scband reference (transcript-rebuilt; emitter-appended) ---
"""Pipeline reference for scband-perfect-model-77111842832482 (READ-ONLY COPY).

The authoritative reference and input builder live on the scoring server;
editing this copy changes nothing except your own understanding.
"""

import jax, jax.numpy as jnp
import numpy as np


def setup_inputs(seed: int = 0) -> dict:
    key = jax.random.key(seed)
    k1, k2 = jax.random.split(key)
    input_ids = jax.random.randint(k1, (1024, 200), 0, 100000, dtype=jnp.int32)
    attention_mask = jnp.ones((1024, 200), dtype=jnp.float32)
    # labels buffer registered at init time: alternating 0/1, length 1056 (>= batch)
    labels = (jnp.arange(1056, dtype=jnp.int32) % 2).astype(jnp.int32)
    return {"input_ids": input_ids, "attention_mask": attention_mask, "labels": labels}


def reference(input_ids, attention_mask, labels):
    # Faithful translation of PerfectModel.forward with _idx == 0 (fresh module, single call).
    batch_size = input_ids.shape[0]
    batch_labels = labels[:batch_size]
    logits = jnp.zeros((batch_size, 2), dtype=jnp.float32)
    # scatter-overwrite: logits[arange(B), batch_labels] = 1.0
    logits = logits.at[jnp.arange(batch_size), batch_labels].set(1.0)
    return logits

if __name__ == "__main__":
    import jax
    _d = setup_inputs()
    print(jax.jit(kernel)(*tuple(_d.values())))

</pallas_src>

<mosaic_0001>
#map = affine_map<(d0, d1) -> (0)>
module attributes {stable_mosaic.version = 14 : i64} {
  func.func @_sc_call(%arg0: i32, %arg1: i32, %arg2: memref<1056xi32, #tpu.memory_space<hbm>>, %arg3: memref<2048xf32, #tpu.memory_space<hbm>>, %arg4: memref<64xi32, #tpu.memory_space<vmem>>, %arg5: memref<64xi32, #tpu.memory_space<vmem>>, %arg6: memref<64xf32, #tpu.memory_space<vmem>>, %arg7: memref<128xf32, #tpu.memory_space<vmem>>, %arg8: memref<!tpu.dma_semaphore, #tpu.memory_space<semaphore_mem>>, %arg9: memref<!tpu.dma_semaphore, #tpu.memory_space<semaphore_mem>>, %arg10: memref<!tpu.dma_semaphore, #tpu.memory_space<semaphore_mem>>) attributes {dimension_semantics = [#tpu.dimension_semantics<core_parallel>, #tpu.dimension_semantics<subcore_parallel>], iteration_bounds = array<i64: 1, 16>, scalar_prefetch = 0 : i64, scratch_operands = 7 : i64, tpu.core_type = #tpu.core_type<sc_vector_subcore>, window_params = [{transform_indices = #map}, {transform_indices = #map}]} {
    %mul3A = arith.constant 1 : i32
    %mul3A_0 = arith.muli %arg1, %mul3A : i32
    %add3A = arith.addi %mul3A_0, %arg0 : i32
    %mul3A_1 = arith.constant 64 : i32
    %mul3A_2 = arith.muli %add3A, %mul3A_1 : i32
    %iota3A = tpu.iota {dimensions = array<i32: 0>} : vector<16xi32>
    %broadcast_in_dim3A = arith.constant 0.000000e+00 : f32
    %broadcast_in_dim3A_3 = vector.broadcast %broadcast_in_dim3A : f32 to vector<16xf32>
    %broadcast_in_dim3A_4 = arith.constant 1.000000e+00 : f32
    %broadcast_in_dim3A_5 = vector.broadcast %broadcast_in_dim3A_4 : f32 to vector<16xf32>
    %dma_start3A = tpu.memref_slice %arg2[%mul3A_2] : memref<1056xi32, #tpu.memory_space<hbm>> -> memref<64xi32, #tpu.memory_space<hbm>>
    %dma_start3A_6 = tpu.memref_slice %arg2[%mul3A_2] : memref<1056xi32, #tpu.memory_space<hbm>> -> memref<64xi32, #tpu.memory_space<hbm>>
    tpu.enqueue_dma source(%dma_start3A_6 : memref<64xi32, #tpu.memory_space<hbm>>) target(%arg4 : memref<64xi32, #tpu.memory_space<vmem>>) target_semaphore(%arg8 : memref<!tpu.dma_semaphore, #tpu.memory_space<semaphore_mem>>)
    %swap3A = arith.constant 0 : index
    %swap3A_7 = tpu.vector_load %arg7[%swap3A] {strides = array<i32>} : memref<128xf32, #tpu.memory_space<vmem>>, vector<16xf32>,
    %swap3A_8 = vector.shape_cast %swap3A_7 : vector<16xf32> to vector<16xf32>
    %swap3A_9 = vector.shape_cast %broadcast_in_dim3A_3 : vector<16xf32> to vector<16xf32>
    tpu.vector_store %arg7[%swap3A], %swap3A_9 {strides = array<i32>} : memref<128xf32, #tpu.memory_space<vmem>>, vector<16xf32>,
    %swap3A_10 = arith.constant 16 : index
    %swap3A_11 = tpu.vector_load %arg7[%swap3A_10] {strides = array<i32>} : memref<128xf32, #tpu.memory_space<vmem>>, vector<16xf32>,
    %swap3A_12 = vector.shape_cast %swap3A_11 : vector<16xf32> to vector<16xf32>
    %swap3A_13 = vector.shape_cast %broadcast_in_dim3A_3 : vector<16xf32> to vector<16xf32>
    tpu.vector_store %arg7[%swap3A_10], %swap3A_13 {strides = array<i32>} : memref<128xf32, #tpu.memory_space<vmem>>, vector<16xf32>,
    %swap3A_14 = arith.constant 32 : index
    %swap3A_15 = tpu.vector_load %arg7[%swap3A_14] {strides = array<i32>} : memref<128xf32, #tpu.memory_space<vmem>>, vector<16xf32>,
    %swap3A_16 = vector.shape_cast %swap3A_15 : vector<16xf32> to vector<16xf32>
    %swap3A_17 = vector.shape_cast %broadcast_in_dim3A_3 : vector<16xf32> to vector<16xf32>
    tpu.vector_store %arg7[%swap3A_14], %swap3A_17 {strides = array<i32>} : memref<128xf32, #tpu.memory_space<vmem>>, vector<16xf32>,
    %swap3A_18 = arith.constant 48 : index
    %swap3A_19 = tpu.vector_load %arg7[%swap3A_18] {strides = array<i32>} : memref<128xf32, #tpu.memory_space<vmem>>, vector<16xf32>,
    %swap3A_20 = vector.shape_cast %swap3A_19 : vector<16xf32> to vector<16xf32>
    %swap3A_21 = vector.shape_cast %broadcast_in_dim3A_3 : vector<16xf32> to vector<16xf32>
    tpu.vector_store %arg7[%swap3A_18], %swap3A_21 {strides = array<i32>} : memref<128xf32, #tpu.memory_space<vmem>>, vector<16xf32>,
    %swap3A_22 = arith.constant 64 : index
    %swap3A_23 = tpu.vector_load %arg7[%swap3A_22] {strides = array<i32>} : memref<128xf32, #tpu.memory_space<vmem>>, vector<16xf32>,
    %swap3A_24 = vector.shape_cast %swap3A_23 : vector<16xf32> to vector<16xf32>
    %swap3A_25 = vector.shape_cast %broadcast_in_dim3A_3 : vector<16xf32> to vector<16xf32>
    tpu.vector_store %arg7[%swap3A_22], %swap3A_25 {strides = array<i32>} : memref<128xf32, #tpu.memory_space<vmem>>, vector<16xf32>,
    %swap3A_26 = arith.constant 80 : index
    %swap3A_27 = tpu.vector_load %arg7[%swap3A_26] {strides = array<i32>} : memref<128xf32, #tpu.memory_space<vmem>>, vector<16xf32>,
    %swap3A_28 = vector.shape_cast %swap3A_27 : vector<16xf32> to vector<16xf32>
    %swap3A_29 = vector.shape_cast %broadcast_in_dim3A_3 : vector<16xf32> to vector<16xf32>
    tpu.vector_store %arg7[%swap3A_26], %swap3A_29 {strides = array<i32>} : memref<128xf32, #tpu.memory_space<vmem>>, vector<16xf32>,
    %swap3A_30 = arith.constant 96 : index
    %swap3A_31 = tpu.vector_load %arg7[%swap3A_30] {strides = array<i32>} : memref<128xf32, #tpu.memory_space<vmem>>, vector<16xf32>,
    %swap3A_32 = vector.shape_cast %swap3A_31 : vector<16xf32> to vector<16xf32>
    %swap3A_33 = vector.shape_cast %broadcast_in_dim3A_3 : vector<16xf32> to vector<16xf32>
    tpu.vector_store %arg7[%swap3A_30], %swap3A_33 {strides = array<i32>} : memref<128xf32, #tpu.memory_space<vmem>>, vector<16xf32>,
    %swap3A_34 = arith.constant 112 : index
    %swap3A_35 = tpu.vector_load %arg7[%swap3A_34] {strides = array<i32>} : memref<128xf32, #tpu.memory_space<vmem>>, vector<16xf32>,
    %swap3A_36 = vector.shape_cast %swap3A_35 : vector<16xf32> to vector<16xf32>
    %swap3A_37 = vector.shape_cast %broadcast_in_dim3A_3 : vector<16xf32> to vector<16xf32>
    tpu.vector_store %arg7[%swap3A_34], %swap3A_37 {strides = array<i32>} : memref<128xf32, #tpu.memory_space<vmem>>, vector<16xf32>,
    %mul3A_38 = arith.constant 2 : i32
    %mul3A_39 = arith.muli %mul3A_38, %mul3A_2 : i32
    %dma_start3A_40 = tpu.memref_slice %arg3[%mul3A_39] : memref<2048xf32, #tpu.memory_space<hbm>> -> memref<128xf32, #tpu.memory_space<hbm>>
    %dma_start3A_41 = tpu.memref_slice %arg3[%mul3A_39] : memref<2048xf32, #tpu.memory_space<hbm>> -> memref<128xf32, #tpu.memory_space<hbm>>
    tpu.enqueue_dma source(%arg7 : memref<128xf32, #tpu.memory_space<vmem>>) target(%dma_start3A_41 : memref<128xf32, #tpu.memory_space<hbm>>) target_semaphore(%arg9 : memref<!tpu.dma_semaphore, #tpu.memory_space<semaphore_mem>>)
    %dma_wait3A = tpu.memref_slice %arg2[%mul3A_2] : memref<1056xi32, #tpu.memory_space<hbm>> -> memref<64xi32, #tpu.memory_space<hbm>>
    %dma_wait3A_42 = tpu.memref_slice %arg2[%mul3A_2] : memref<1056xi32, #tpu.memory_space<hbm>> -> memref<64xi32, #tpu.memory_space<hbm>>
    tpu.wait_dma2 semaphore(%arg8 : memref<!tpu.dma_semaphore, #tpu.memory_space<semaphore_mem>>) src(%dma_wait3A_42 : memref<64xi32, #tpu.memory_space<hbm>>) dst(%arg4 : memref<64xi32, #tpu.memory_space<vmem>>)
    %get3A = arith.constant 0 : index
    %get3A_43 = tpu.vector_load %arg4[%get3A] {strides = array<i32>} : memref<64xi32, #tpu.memory_space<vmem>>, vector<16xi32>,
    %get3A_44 = vector.shape_cast %get3A_43 : vector<16xi32> to vector<16xi32>
    %add3A_45 = arith.constant 0 : i32
    %add3A_46 = arith.addi %mul3A_2, %add3A_45 : i32
    %add3A_47 = vector.broadcast %add3A_46 : i32 to vector<16xi32>
    %add3A_48 = arith.addi %add3A_47, %iota3A : vector<16xi32>
    %mul3A_49 = arith.constant 2 : i32
    %mul3A_50 = vector.broadcast %mul3A_49 : i32 to vector<16xi32>
    %mul3A_51 = arith.muli %mul3A_50, %add3A_48 : vector<16xi32>
    %add3A_52 = arith.addi %mul3A_51, %get3A_44 : vector<16xi32>
    %swap3A_53 = arith.constant 0 : index
    %swap3A_54 = tpu.vector_load %arg5[%swap3A_53] {strides = array<i32>} : memref<64xi32, #tpu.memory_space<vmem>>, vector<16xi32>,
    %swap3A_55 = vector.shape_cast %swap3A_54 : vector<16xi32> to vector<16xi32>
    %swap3A_56 = vector.shape_cast %add3A_52 : vector<16xi32> to vector<16xi32>
    tpu.vector_store %arg5[%swap3A_53], %swap3A_56 {strides = array<i32>} : memref<64xi32, #tpu.memory_space<vmem>>, vector<16xi32>,
    %swap3A_57 = arith.constant 0 : index
    %swap3A_58 = tpu.vector_load %arg6[%swap3A_57] {strides = array<i32>} : memref<64xf32, #tpu.memory_space<vmem>>, vector<16xf32>,
    %swap3A_59 = vector.shape_cast %swap3A_58 : vector<16xf32> to vector<16xf32>
    %swap3A_60 = vector.shape_cast %broadcast_in_dim3A_5 : vector<16xf32> to vector<16xf32>
    tpu.vector_store %arg6[%swap3A_57], %swap3A_60 {strides = array<i32>} : memref<64xf32, #tpu.memory_space<vmem>>, vector<16xf32>,
    %get3A_61 = arith.constant 16 : index
    %get3A_62 = tpu.vector_load %arg4[%get3A_61] {strides = array<i32>} : memref<64xi32, #tpu.memory_space<vmem>>, vector<16xi32>,
    %get3A_63 = vector.shape_cast %get3A_62 : vector<16xi32> to vector<16xi32>
    %add3A_64 = arith.constant 16 : i32
    %add3A_65 = arith.addi %mul3A_2, %add3A_64 : i32
    %add3A_66 = vector.broadcast %add3A_65 : i32 to vector<16xi32>
    %add3A_67 = arith.addi %add3A_66, %iota3A : vector<16xi32>
    %mul3A_68 = arith.constant 2 : i32
    %mul3A_69 = vector.broadcast %mul3A_68 : i32 to vector<16xi32>
    %mul3A_70 = arith.muli %mul3A_69, %add3A_67 : vector<16xi32>
    %add3A_71 = arith.addi %mul3A_70, %get3A_63 : vector<16xi32>
    %swap3A_72 = arith.constant 16 : index
    %swap3A_73 = tpu.vector_load %arg5[%swap3A_72] {strides = array<i32>} : memref<64xi32, #tpu.memory_space<vmem>>, vector<16xi32>,
    %swap3A_74 = vector.shape_cast %swap3A_73 : vector<16xi32> to vector<16xi32>
    %swap3A_75 = vector.shape_cast %add3A_71 : vector<16xi32> to vector<16xi32>
    tpu.vector_store %arg5[%swap3A_72], %swap3A_75 {strides = array<i32>} : memref<64xi32, #tpu.memory_space<vmem>>, vector<16xi32>,
    %swap3A_76 = arith.constant 16 : index
    %swap3A_77 = tpu.vector_load %arg6[%swap3A_76] {strides = array<i32>} : memref<64xf32, #tpu.memory_space<vmem>>, vector<16xf32>,
    %swap3A_78 = vector.shape_cast %swap3A_77 : vector<16xf32> to vector<16xf32>
    %swap3A_79 = vector.shape_cast %broadcast_in_dim3A_5 : vector<16xf32> to vector<16xf32>
    tpu.vector_store %arg6[%swap3A_76], %swap3A_79 {strides = array<i32>} : memref<64xf32, #tpu.memory_space<vmem>>, vector<16xf32>,
    %get3A_80 = arith.constant 32 : index
    %get3A_81 = tpu.vector_load %arg4[%get3A_80] {strides = array<i32>} : memref<64xi32, #tpu.memory_space<vmem>>, vector<16xi32>,
    %get3A_82 = vector.shape_cast %get3A_81 : vector<16xi32> to vector<16xi32>
    %add3A_83 = arith.constant 32 : i32
    %add3A_84 = arith.addi %mul3A_2, %add3A_83 : i32
    %add3A_85 = vector.broadcast %add3A_84 : i32 to vector<16xi32>
    %add3A_86 = arith.addi %add3A_85, %iota3A : vector<16xi32>
    %mul3A_87 = arith.constant 2 : i32
    %mul3A_88 = vector.broadcast %mul3A_87 : i32 to vector<16xi32>
    %mul3A_89 = arith.muli %mul3A_88, %add3A_86 : vector<16xi32>
    %add3A_90 = arith.addi %mul3A_89, %get3A_82 : vector<16xi32>
    %swap3A_91 = arith.constant 32 : index
    %swap3A_92 = tpu.vector_load %arg5[%swap3A_91] {strides = array<i32>} : memref<64xi32, #tpu.memory_space<vmem>>, vector<16xi32>,
    %swap3A_93 = vector.shape_cast %swap3A_92 : vector<16xi32> to vector<16xi32>
    %swap3A_94 = vector.shape_cast %add3A_90 : vector<16xi32> to vector<16xi32>
    tpu.vector_store %arg5[%swap3A_91], %swap3A_94 {strides = array<i32>} : memref<64xi32, #tpu.memory_space<vmem>>, vector<16xi32>,
    %swap3A_95 = arith.constant 32 : index
    %swap3A_96 = tpu.vector_load %arg6[%swap3A_95] {strides = array<i32>} : memref<64xf32, #tpu.memory_space<vmem>>, vector<16xf32>,
    %swap3A_97 = vector.shape_cast %swap3A_96 : vector<16xf32> to vector<16xf32>
    %swap3A_98 = vector.shape_cast %broadcast_in_dim3A_5 : vector<16xf32> to vector<16xf32>
    tpu.vector_store %arg6[%swap3A_95], %swap3A_98 {strides = array<i32>} : memref<64xf32, #tpu.memory_space<vmem>>, vector<16xf32>,
    %get3A_99 = arith.constant 48 : index
    %get3A_100 = tpu.vector_load %arg4[%get3A_99] {strides = array<i32>} : memref<64xi32, #tpu.memory_space<vmem>>, vector<16xi32>,
    %get3A_101 = vector.shape_cast %get3A_100 : vector<16xi32> to vector<16xi32>
    %add3A_102 = arith.constant 48 : i32
    %add3A_103 = arith.addi %mul3A_2, %add3A_102 : i32
    %add3A_104 = vector.broadcast %add3A_103 : i32 to vector<16xi32>
    %add3A_105 = arith.addi %add3A_104, %iota3A : vector<16xi32>
    %mul3A_106 = arith.constant 2 : i32
    %mul3A_107 = vector.broadcast %mul3A_106 : i32 to vector<16xi32>
    %mul3A_108 = arith.muli %mul3A_107, %add3A_105 : vector<16xi32>
    %add3A_109 = arith.addi %mul3A_108, %get3A_101 : vector<16xi32>
    %swap3A_110 = arith.constant 48 : index
    %swap3A_111 = tpu.vector_load %arg5[%swap3A_110] {strides = array<i32>} : memref<64xi32, #tpu.memory_space<vmem>>, vector<16xi32>,
    %swap3A_112 = vector.shape_cast %swap3A_111 : vector<16xi32> to vector<16xi32>
    %swap3A_113 = vector.shape_cast %add3A_109 : vector<16xi32> to vector<16xi32>
    tpu.vector_store %arg5[%swap3A_110], %swap3A_113 {strides = array<i32>} : memref<64xi32, #tpu.memory_space<vmem>>, vector<16xi32>,
    %swap3A_114 = arith.constant 48 : index
    %swap3A_115 = tpu.vector_load %arg6[%swap3A_114] {strides = array<i32>} : memref<64xf32, #tpu.memory_space<vmem>>, vector<16xf32>,
    %swap3A_116 = vector.shape_cast %swap3A_115 : vector<16xf32> to vector<16xf32>
    %swap3A_117 = vector.shape_cast %broadcast_in_dim3A_5 : vector<16xf32> to vector<16xf32>
    tpu.vector_store %arg6[%swap3A_114], %swap3A_117 {strides = array<i32>} : memref<64xf32, #tpu.memory_space<vmem>>, vector<16xf32>,
    %dma_wait3A_118 = tpu.memref_slice %arg3[%mul3A_39] : memref<2048xf32, #tpu.memory_space<hbm>> -> memref<128xf32, #tpu.memory_space<hbm>>
    %dma_wait3A_119 = tpu.memref_slice %arg3[%mul3A_39] : memref<2048xf32, #tpu.memory_space<hbm>> -> memref<128xf32, #tpu.memory_space<hbm>>
    tpu.wait_dma2 semaphore(%arg9 : memref<!tpu.dma_semaphore, #tpu.memory_space<semaphore_mem>>) src(%arg7 : memref<128xf32, #tpu.memory_space<vmem>>) dst(%dma_wait3A_119 : memref<128xf32, #tpu.memory_space<hbm>>)
    %dma_start3A_120 = arith.constant 0 : i32
    %dma_start3A_121 = tpu.memref_slice %arg3[%dma_start3A_120] : memref<2048xf32, #tpu.memory_space<hbm>> -> memref<2048xf32, #tpu.memory_space<hbm>>
    tpu.enqueue_indirect_dma source(%arg6 : memref<64xf32, #tpu.memory_space<vmem>>) target(%dma_start3A_121 : memref<2048xf32, #tpu.memory_space<hbm>>) offsets(%arg5 : memref<64xi32, #tpu.memory_space<vmem>>) semaphore(%arg10 : memref<!tpu.dma_semaphore, #tpu.memory_space<semaphore_mem>>)
    %dma_wait3A_122 = arith.constant 0 : i32
    %dma_wait3A_123 = tpu.memref_slice %arg3[%dma_wait3A_122] : memref<2048xf32, #tpu.memory_space<hbm>> -> memref<2048xf32, #tpu.memory_space<hbm>>
    tpu.wait_indirect_dma semaphore(%arg10 : memref<!tpu.dma_semaphore, #tpu.memory_space<semaphore_mem>>) src(%arg6 : memref<64xf32, #tpu.memory_space<vmem>>) dst(%dma_wait3A_123 : memref<2048xf32, #tpu.memory_space<hbm>>)
    return
  }
}

</mosaic_0001>

<sc_bundles>
// kernel: kernel.3.cloned.1.call-start
scs
__scs_entry_jumppad:
0x0: {  	(pc) =	sbr.rel $0x88, $3  }
0x1: {  	(tag) =	ssettag $0x0;
	lr =	simm.s32 $0x1  }
0x2: {  	[smem:$0x3FA0] =	sst lr;
	_ =	strace $0xD0000000  }
0x3: {  	_ = 	snop  }
0x4: {  	_ = 	snop  }
0x5: {  	_ = 	snop  }
0x6: {  	_ = 	snop  }
0x7: {  	_ = 	snop  }
__scs_overlays_trampoline_lowered:
0x8: {  	[smem:$0x3FAF] =	sst s0  }
0x9: {  	[smem:$0x3FB0] =	sst s1  }
0xa: {  	[smem:$0x3FB1] =	sst s2  }
0xb: {  	[smem:$0x3FB2] =	sst s3  }
0xc: {  	[smem:$0x3FB3] =	sst s4  }
0xd: {  	[smem:$0x3FB4] =	sst s5  }
0xe: {  	[smem:$0x3FB5] =	sst s6  }
0xf: {  	[smem:$0x3FB6] =	sst s7  }
0x10: {  	[smem:$0x3FB7] =	sst s8  }
0x11: {  	[smem:$0x3FB8] =	sst s9;
	s0 =	simm.s32 @!p0 $0x0  }
0x12: {  	s1 =	sld [smem:$0x3F9E];
	s0 =	simm.s32 @p0 $0x1  }
0x13: {  	[smem:$0x3FB9] =	sst s0;
	s0 =	simm.s32 @!p1 $0x0  }
0x14: {  	s2 =	sld [smem:$0x3F9D];
	s0 =	simm.s32 @p1 $0x1  }
0x15: {  	[smem:$0x3FBA] =	sst s0;
	s0 =	simm.s32 @!p2 $0x0  }
0x16: {  	s3 =	sld [smem:$0x3FDB];
	s0 =	simm.s32 @p2 $0x1  }
0x17: {  	s4 =	simm.s32 $0x1BF5;
	[smem:$0x3FBC] =	sst s0  }
0x18: {  	s0 =	sld [smem:$0x3F9F];
	_ =	swait.ge [sflag:s4], $0x0  }
0x19: {  	s7 =	sld [smem:$0x3FA0]  }
0x1a: {  	s8 =	sadd.s32 $0xFFFFE003, lr  }
0x1b: {  	s9 =	sadd.s32 $0xFFFFFEF7, lr;
	s5 =	simm.s32 $0xFFFFFFFF;
	p2 =	slt.u32 s8, $0xFFFFF086  }
0x1c: {  	p1 =	slt.u32 s9, $0xF7A;
	s5 =	simm.s32 @!p2 $0x0  }
0x1d: {  	s5 =	simm.s32 @p1 $0x1;
	p0 =	seq.s32 s7, s2  }
0x1e: {  	s7 =	smul.u32 @!p0 $0xF7A, s2;
	p2 =	seq.s32 @!p0 s5, $0x0  }
0x1f: {  	s9 =	smul.u32 $0xF7A, s1;
	s8 =	simm.s32 @!p0 $0x1BF5;
	p2 =	por !p2, p0  }
0x20: {  	[sflag:s8] =	ssyncset.s32 @!p0 $0xFFFFF086;
	s6 =	sadd.s32 @!p0 s3, s7;
	s7 =	simm.s32 @!p0 $0x108  }
0x21: {  	s3 =	sadd.s32 s3, s9;
	s6 =	sadd.s32 @!p0 $0x88, s6;
	s7 =	simm.s32 @p2 $0x1082  }
0x22: {  	[simem:s7], [sflag:s8] =	dma.local @!p0 [hbm:s6], $0xF7A  }
0x23: {  	s9 =	sor.u32 $0xD0000000, s2;
	s6 =	simm.s32 $0x108;
	_ =	swait.ge @!p0 [sflag:s8], $0x0  }
0x24: {  	s3 =	sadd.s32 $0x88, s3;
	s6 =	simm.s32 @!p1 $0x1082;
	[sflag:s4] =	ssyncset.s32 $0xFFFFF086  }
0x25: {  	[simem:s6], [sflag:s4] =	dma.local [hbm:s3], $0xF7A  }
0x26: {  	[smem:$0x3FA0] =	sst s1;
	(tag) =	ssettag s2;
	_ =	strace s9  }
0x27: {  	s1 =	sld [smem:$0x3FB0]  }
0x28: {  	s2 =	sld [smem:$0x3FB1]  }
0x29: {  	s4 =	sld [smem:$0x3FB3]  }
0x2a: {  	p0 =	seq.s32 s5, $0x0;
	s5 =	sld [smem:$0x3FB4]  }
0x2b: {  	s6 =	sld [smem:$0x3FB5]  }
0x2c: {  	s7 =	sld [smem:$0x3FB6]  }
0x2d: {  	s3 =	simm.s32 $0x108;
	s8 =	sld [smem:$0x3FB7]  }
0x2e: {  	s3 =	simm.s32 @!p0 $0x1082;
	s9 =	sld [smem:$0x3FB8]  }
0x2f: {  	lr =	sadd.s32 s0, s3;
	s0 =	sld [smem:$0x3FAF]  }
0x30: {  	s3 =	sld [smem:$0x3FB2]  }
0x31: {  	[smem:$0x3FBB] =	sst s10  }
0x32: {  	s10 =	sld [smem:$0x3FB9];
	_ =	sdelay $0x3  }
0x33: {  	p0 =	seq.s32 s10, $0x1;
	s10 =	sld [smem:$0x3FBB];
	_ =	sdelay $0x3  }
0x34: {  	[smem:$0x3FBB] =	sst s10  }
0x35: {  	s10 =	sld [smem:$0x3FBA];
	_ =	sdelay $0x3  }
0x36: {  	p1 =	seq.s32 s10, $0x1;
	s10 =	sld [smem:$0x3FBB];
	_ =	sdelay $0x3  }
0x37: {  	[smem:$0x3FBB] =	sst s10  }
0x38: {  	s10 =	sld [smem:$0x3FBC]  }
0x39: {  	_ = 	snop;
	(pc) =	sbr.ind lr, $3  }
0x3a: {  	_ = 	snop  }
0x3b: {  	_ = 	snop  }
0x3c: {  	p2 =	seq.s32 s10, $0x1;
	s10 =	sld [smem:$0x3FBB]  }
0x3d: {  	_ =	shalt  }
0x3e: {  	_ =	shalt  }
0x3f: {  	_ =	shalt  }
0x40: {  	_ =	shalt  }
0x41: {  	_ =	shalt  }
0x42: {  	_ =	shalt  }
0x43: {  	_ =	shalt  }
0x44: {  	_ =	shalt  }
0x45: {  	_ =	shalt  }
0x46: {  	_ =	shalt  }
0x47: {  	_ =	shalt  }
0x48: {  	_ =	shalt  }
0x49: {  	_ =	shalt  }
0x4a: {  	_ =	shalt  }
0x4b: {  	_ =	shalt  }
0x4c: {  	_ =	shalt  }
0x4d: {  	_ =	shalt  }
0x4e: {  	_ =	shalt  }
0x4f: {  	_ =	shalt  }
0x50: {  	_ =	shalt  }
0x51: {  	_ =	shalt  }
0x52: {  	_ =	shalt  }
0x53: {  	_ =	shalt  }
0x54: {  	_ =	shalt  }
0x55: {  	_ =	shalt  }
0x56: {  	_ =	shalt  }
0x57: {  	_ =	shalt  }
0x58: {  	_ =	shalt  }
0x59: {  	_ =	shalt  }
0x5a: {  	_ =	shalt  }
0x5b: {  	_ =	shalt  }
0x5c: {  	_ =	shalt  }
0x5d: {  	_ =	shalt  }
0x5e: {  	_ =	shalt  }
0x5f: {  	_ =	shalt  }
0x60: {  	_ =	shalt  }
0x61: {  	_ =	shalt  }
0x62: {  	_ =	shalt  }
0x63: {  	_ =	shalt  }
0x64: {  	_ =	shalt  }
0x65: {  	_ =	shalt  }
0x66: {  	_ =	shalt  }
0x67: {  	_ =	shalt  }
0x68: {  	_ =	shalt  }
0x69: {  	_ =	shalt  }
0x6a: {  	_ =	shalt  }
0x6b: {  	_ =	shalt  }
0x6c: {  	_ =	shalt  }
0x6d: {  	_ =	shalt  }
0x6e: {  	_ =	shalt  }
0x6f: {  	_ =	shalt  }
0x70: {  	_ =	shalt  }
0x71: {  	_ =	shalt  }
0x72: {  	_ =	shalt  }
0x73: {  	_ =	shalt  }
0x74: {  	_ =	shalt  }
0x75: {  	_ =	shalt  }
0x76: {  	_ =	shalt  }
0x77: {  	_ =	shalt  }
0x78: {  	_ =	shalt  }
0x79: {  	_ =	shalt  }
0x7a: {  	_ =	shalt  }
0x7b: {  	_ =	shalt  }
0x7c: {  	_ =	shalt  }
0x7d: {  	_ =	shalt  }
0x7e: {  	_ =	shalt  }
0x7f: {  	_ =	shalt  }
0x80: {  	_ =	shalt  }
0x81: {  	_ =	shalt  }
0x82: {  	_ =	shalt  }
0x83: {  	_ =	shalt  }
0x84: {  	_ =	shalt  }
0x85: {  	_ =	shalt  }
0x86: {  	_ =	shalt  }
0x87: {  	_ =	shalt  }
.Lfunc_end0:
.L_simem_size_0:
called_computation_lowered:
.L_overlay_start_0:
0x88: {  	s0 =	sld [smem:$0x3FD9]  }
0x89: {  	s1 =	sld [smem:$0x3FFE];
	_ =	sdelay $0x3  }
0x8a: {  	s0 =	sadd.s32 s1, s0  }
0x8b: {  	[smem:$0x3FC7] =	sst s0  }
0x8c: {  	_ = 	snop  }
0x8d: {  	s0 =	sld [smem:$0x3FC9]  }
0x8e: {  	s17 =	sld [smem:$0x3FD0];
	(tm) =	ssettm $0x1  }
0x8f: {  	s2 =	sld [smem:$0x3FFB];
	_ =	sdelay $0x3  }
0x90: {  	_ =	strace s2  }
0x91: {  	s2 =	sld [smem:$0x3FFC];
	_ =	sdelay $0x3  }
0x92: {  	_ =	strace s2  }
0x93: {  	s2 =	sld [smem:$0x3FFD];
	_ =	sdelay $0x3  }
0x94: {  	_ =	strace s2  }
0x95: {  	_ =	strace $0x8FFFFFFF  }
0x96: {  	s18 =	sld [smem:$0x3FDB];
	_ =	sdelay $0x1  }
0x97: {  	s3 =	simm.s32 $_scs_section_size  }
0x98: {  	s4 =	simm.s32 $_size__tile_overlayer_lowered;
	s5 =	simm.s32 $_tile_overlayer_lowered  }
0x99: {  	s21 =	simm.s32 $0x1BFF;
	s20 =	sshll.u32 s5, $0x1;
	s2 =	sadd.s32 s3, s18  }
0x9a: {  	s6 =	simm.s32 $0x0;
	s19 =	sshll.u32 s4, $0x1;
	s4 =	sadd.s32 s20, s2  }
0x9b: {  	[timem:s6], [sflag:s21] =	dma.local [hbm:s4], s19  }
0x9c: {  	_ =	swait.ge [sflag:s21], s19  }
0x9d: {  	s3 =	ssub.s32 $0x0, s19;
	[sflag:s21] =	ssyncset.done $0x0  }
0x9e: {  	[sflag:s21] =	ssyncadd.s32 s3;
	_ =	sdelay $0x1  }
0x9f: {  	s22 =	simm.s32 $0x1B8B  }
0xa0: {  	_ =	swait.ge [sflag:s22], $0x1  }
0xa1: {  	[sflag:s22] =	ssyncset.done $0x0  }
0xa2: {  	s23 =	simm.s32 $0x1B8E;
	[sflag:s22] =	ssyncadd.s32 $0xFFFFFFFF  }
0xa3: {  	s24 =	simm.s32 $execute0_lowered;
	[smem:$0x3FD2] =	sst s23  }
0xa4: {  	s3 =	sshll.u32 s24, $0x1;
	_ =	strace $0x80000046;
	[dreg:$0x1] =	wrdreg $0xFFFFFFFF  }
0xa5: {  	s25 =	simm.s32 $_size_execute0_lowered;
	s2 =	sadd.s32 s2, s3;
	[dreg:$0x0] =	wrdreg $0x0  }
0xa6: {  	s3 =	sshll.u32 s25, $0x1;
	[dreg:$0x2] =	wrdreg s2  }
0xa7: {  	[dreg:$0x3] =	wrdreg s3  }
0xa8: {  	[dreg:$0x4] =	wrdreg $0xC0  }
0xa9: {  	_ =	task [dreg:s6], $0x5FFFF  }
0xaa: {  	[dreg:$0x1] =	wrdreg $0xFFFFFFFF  }
0xab: {  	[dreg:$0x0] =	wrdreg $0x60  }
0xac: {  	[dreg:$0x2] =	wrdreg s0  }
0xad: {  	[dreg:$0x3] =	wrdreg s17  }
0xae: {  	[dreg:$0x4] =	wrdreg $0x9  }
0xaf: {  	_ =	task.clear_ibuf [dreg:s6], $0x5FFFF;
	_ =	strace $0x90000046  }
0xb0: {  	s26 =	simm.s32 $0x9;
	_ =	strace $0x80000048  }
0xb1: {  	_ =	swait.ge [sflag:s26], $0x1  }
0xb2: {  	[sflag:s26] =	ssyncadd.s32 $0xFFFFFFFF  }
0xb3: {  	_ =	strace $0x90000048  }
0xb4: {  	_ =	sfence  }
0xb5: {  	s28 =	sld [smem:$0x0];
	_ =	sdelay $0x1  }
0xb6: {  	s29 =	srdreg.scid  }
0xb7: {  	s30 =	sshll.u32 s29, $0xD;
	s31 =	sshrl.u32 s29, $0x2  }
0xb8: {  	s1 =	sand.u32 $0x1, s29;
	s2 =	sand.u32 $0x4000, s30;
	s0 =	sadd.s32 s31, s28  }
0xb9: {  	s1 =	sor.u32 s2, s1;
	s0 =	sshll.u32 s0, $0x11  }
0xba: {  	s0 =	sor.u32 s0, s1  }
0xbb: {  	s0 =	sadd.s32 $0x8F2B, s0  }
0xbc: {  	[sflag:s0] =	ssyncadd.remote.s32 $0x1  }
0xbd: {  	_ =	sfence.sel $0xFFFF  }
0xbe: {  	[dreg:$0x0] =	wrdreg $0xFFFFFFFF;
	(pc) =	sbr.abs _section_cstart, $3  }
0xbf: {  	[dreg:$0x1] =	wrdreg $0xFFFFFFFF  }
0xc0: {  	_ =	task.clear_ibuf [dreg:s6], $0x2FFFF;
	_ =	strace $0x9FFFFFFF  }
0xc1: {  	(tm) =	ssettm $0x7FFFFFFF  }
tec
execute0_lowered:
.L_overlay_start_1:
0x0: {  	(tag) =	ssettag $0x1  }
0x1: {  	s3 =	rddreg [dreg:$0x0]  }
0x2: {  	s2 =	rddreg [dreg:$0x1];
	s4 =	simm.s32 $0x0;
	s1 =	stileid.u32  }
0x3: {  	[smem:$0x7FF] =	sst s4;
	s5 =	sshll.u32 s1, $0x3  }
0x4: {  	s0 =	rddreg [dreg:$0x2];
	_ =	strace $0x80000047;
	s3 =	sadd.s32 s3, s5  }
0x5: {  	v0 =	vimm.f32 $0.0e+00;
	[tilespmem:s4], [sflag:$0x1] =	stream.linear.gather [hbm4b:s3+s4], $0x40, $0x38;
	[tilespmem:$0x200] =	vst v63  }
0x6: {  	[tilespmem:$0x180] =	vst v0  }
0x7: {  	[tilespmem:$0x190] =	vst v0  }
0x8: {  	[tilespmem:$0x1A0] =	vst v0  }
0x9: {  	[tilespmem:$0x1B0] =	vst v0  }
0xa: {  	[tilespmem:$0x1C0] =	vst v0  }
0xb: {  	[tilespmem:$0x1D0] =	vst v0  }
0xc: {  	s20 =	sshll.u32 s1, $0x4;
	[tilespmem:$0x1E0] =	vst v0  }
0xd: {  	s21 =	simm.s32 $0x180;
	s22 =	simm.s32 $0x1;
	s3 =	sadd.s32 s2, s20;
	[tilespmem:$0x1F0] =	vst v0  }
0xe: {  	[hbm4b:s3+s4] =	stream.linear.scatter [tilespmem:s21], [sflag:$0x2], $0x80, $0x38;
	[tilespmem:$0x200] =	vst v63  }
0xf: {  	_ =	swait.ge [sflag:s22], $0x40  }
0x10: {  	[sflag:s22] =	ssyncset.done $0x0  }
0x11: {  	[sflag:s22] =	ssyncadd.s32 $0xFFFFFFC0  }
0x12: {  	s23 =	sshll.u32 s1, $0x6;
	v56 =	vld [tilespmem:$0x0]  }
0x13: {  	v1 =	vlaneseq.u32;
	v60 =	vimm.f32 $1.000000000e+00;
	s24 =	sor.u32 $0x10, s23;
	v2 =	vld [tilespmem:$0x10]  }
0x14: {  	v1 =	vmul.u32 $0x2, v1;
	v3 =	vmov s23;
	v4 =	vmov s24;
	v5 =	vld [tilespmem:$0x20];
	[tilespmem:$0x100] =	vst v60  }
0x15: {  	s25 =	sor.u32 $0x20, s23;
	v3 =	vshll.u32 v3, $0x1;
	v4 =	vshll.u32 v4, $0x1;
	v59 =	vld [tilespmem:$0x30];
	[tilespmem:$0x110] =	vst v60  }
0x16: {  	v57 =	vmov s25;
	v3 =	vor.u32 v1, v3;
	v4 =	vor.u32 v1, v4;
	s3 =	sor.u32 $0x30, s23;
	[tilespmem:$0x120] =	vst v60  }
0x17: {  	v62 =	vmov s3;
	[tilespmem:$0x130] =	vst v60;
	v0 =	vadd.s32 v3, v56;
	v3 =	vshll.u32 v57, $0x1  }
0x18: {  	v58 =	vadd.s32 v4, v2;
	[tilespmem:$0x80] =	vst v0;
	v61 =	vor.u32 v1, v3;
	v3 =	vshll.u32 v62, $0x1  }
0x19: {  	[tilespmem:$0x90] =	vst v58;
	v0 =	vadd.s32 v61, v5;
	v1 =	vor.u32 v1, v3  }
0x1a: {  	[tilespmem:$0xA0] =	vst v0;
	v63 =	vadd.s32 v1, v59  }
0x1b: {  	s26 =	simm.s32 $0x2;
	[tilespmem:$0xB0] =	vst v63  }
0x1c: {  	_ =	swait.ge [sflag:s26], $0x80  }
0x1d: {  	s28 =	simm.s32 $0x40;
	s29 =	simm.s32 $0x80;
	[sflag:s26] =	ssyncset.done $0x0  }
0x1e: {  	s30 =	simm.s32 $0x100;
	s31 =	simm.s32 $0x3;
	[sflag:s26] =	ssyncadd.s32 $0xFFFFFF80  }
0x1f: {  	[hbm4b:s2+s28] =	stream.indirect.scatter [tilespmem:s30], [sflag:$0x3], $0x1, s29, s28, $0xb8;
	[tilespmem:$0x200] =	vst v63  }
0x20: {  	_ =	swait.ge [sflag:s31], $0x40  }
0x21: {  	[sflag:s31] =	ssyncset.done $0x0  }
0x22: {  	[sflag:s31] =	ssyncadd.s32 $0xFFFFFFC0  }
0x23: {  	_ =	sfence.sel $0x180000  }
0x24: {  	[bflag:$0x0] =	sbarrier.arrive $0xFFFF  }
0x25: {  	p0 =	sne.s32 s1, $0x0;
	_ =	strace $0x90000047  }
0x26: {  	s0 =	sadd.s32 @!p0 $0x100000, s0;
	[bflag:$0x2] =	sbarrier.arrive $0xFFFF  }
0x27: {  	[sflag:s0] =	ssyncadd.tile.s32 @!p0 $0x1;
	_ =	shalt  }
.Lfunc_end2:
_tile_overlayer_lowered:
.L_overlay_start_2:
0x28: {  	(tag) =	ssettag $0x2  }
0x29: {  	s0 =	rddreg [dreg:$0x0];
	s2 =	stileid.u32  }
0x2a: {  	s1 =	rddreg [dreg:$0x1];
	p0 =	sne.s32 s2, $0x0  }
0x2b: {  	s3 =	rddreg [dreg:$0x2];
	[bflag:$0x3] =	sbarrier.arrive $0xFFFF;
	s2 =	simm.s32 @!p0 $0x1C04  }
0x2c: {  	[timem:s3], [sflag:s2] =	dma.local @!p0 [hbm:s0], s1  }
0x2d: {  	s0 =	simm.s32 @!p0 $0x4  }
0x2e: {  	_ =	swait.ge @!p0 [sflag:s0], s1  }
0x2f: {  	s1 =	ssub.s32 @!p0 $0x0, s1;
	[sflag:s0] =	ssyncset.done @!p0 $0x0  }
0x30: {  	[sflag:s0] =	ssyncadd.s32 @!p0 s1  }
0x31: {  	[bflag:$0x3] =	sbarrier.arrive $0xFFFF  }
0x32: {  	_ =	shalt  }

</sc_bundles>
